<compile_context>
chip_gen: v7x
topology: tpu7x:2x2x1
jax: 0.10.2.dev20260603
libtpu: 0.0.44.dev20260713+nightly
codegen_flags: <defaults>
</compile_context>

<pallas_src>
import functools

import jax
import jax.numpy as jnp
from jax import lax
from jax.experimental import pallas as pl
from jax.experimental.pallas import tpu as pltpu
from jax.experimental.pallas import tpu_sc as plsc

N = 10000
D = 128
E = 320000
NC = 2
NS = 16
NW = NC * NS
ROWS_W = 80
EW = ROWS_W * 128
E_PAD = NW * EW
N_SH = 10240
ROWS_T = N_SH // NS
DEGW = 128

_MESH = dict(core_axis_name="c", subcore_axis_name="s")



def _deg_body(dst_hbm, ones_hbm, zeros_hbm, deg_hbm, idx_v, ones_v, deg_sh):
    c = lax.axis_index("c")
    s = lax.axis_index("s")
    w = s * NC + c
    pltpu.sync_copy(ones_hbm, ones_v)
    pltpu.sync_copy(zeros_hbm, deg_sh.at[pl.ds(s * ROWS_T, ROWS_T)])
    pltpu.sync_copy(dst_hbm.at[pl.ds(w * ROWS_W, ROWS_W)], idx_v)
    plsc.subcore_barrier()

    def body(j, carry):
        pltpu.sync_copy(ones_v, deg_sh.at[idx_v.at[j]], add=True)
        return carry

    lax.fori_loop(0, ROWS_W, body, 0)
    plsc.subcore_barrier()
    pltpu.sync_copy(deg_sh.at[pl.ds(s * ROWS_T, ROWS_T)],
                    deg_hbm.at[pl.ds((c * NS + s) * ROWS_T, ROWS_T)])


@jax.jit
def _deg(dst2d, ones8, zeros8):
    f = pl.kernel(
        _deg_body,
        out_type=jax.ShapeDtypeStruct((NC * N_SH, DEGW), jnp.float32),
        mesh=plsc.VectorSubcoreMesh(**_MESH),
        scratch_types=[
            pltpu.VMEM((ROWS_W, 128), jnp.int32),
            pltpu.VMEM((128, DEGW), jnp.float32),
            pltpu.VMEM_SHARED((N_SH, DEGW), jnp.float32),
        ],
    )
    return f(dst2d, ones8, zeros8)


AROWS = 156
BROWS = 160 - AROWS
MAXR = max(AROWS, BROWS)
TOT_ROWS = NS * (AROWS + BROWS)
SAFE_ROWS = TOT_ROWS + MAXR + 8


def _agg_body(y_hbm, sd_hbm, zeros_hbm, out_hbm,
              i0, i1, i2, i3, r0, r1, agg_sh,
              is0, is1, is2, is3, gs0, gs1):
    idxb = [i0, i1, i2, i3]
    isem = [is0, is1, is2, is3]
    rows = [r0, r1]
    gsem = [gs0, gs1]
    c = lax.axis_index("c")
    s = lax.axis_index("s")
    rows_w = jnp.where(c == 0, AROWS, BROWS)
    row0 = jnp.where(c == 0, s * AROWS, NS * AROWS + s * BROWS)

    def start_i(j, q):
        pltpu.async_copy(sd_hbm.at[row0 + j], idxb[q], isem[q])

    def wait_i(j, q):
        pltpu.make_async_copy(sd_hbm.at[row0 + j], idxb[q], isem[q]).wait()

    def start_g(j, q, b):
        for u in range(4):
            pltpu.async_copy(y_hbm.at[idxb[q].at[0].at[pl.ds(u * 32, 32)]],
                             rows[b].at[pl.ds(u * 32, 32)], gsem[b])

    def wait_g(j, q, b):
        pltpu.make_async_copy(y_hbm.at[idxb[q].at[0]], rows[b],
                              gsem[b]).wait()

    def do_s(j, q, b):
        pltpu.sync_copy(rows[b], agg_sh.at[idxb[q].at[1]], add=True)

    for k in range(ROWS_T // 128):
        pltpu.sync_copy(zeros_hbm.at[pl.ds(k * 128, 128)],
                        agg_sh.at[pl.ds(s * ROWS_T + k * 128, 128)])
    plsc.subcore_barrier()

    start_i(0, 0)
    start_i(1, 1)
    wait_i(0, 0)
    start_g(0, 0, 0)
    start_i(2, 2)
    for b4 in range(1, 4):
        j = b4
        wait_i(j, b4)
        start_g(j, b4, b4 % 2)
        wait_g(j - 1, b4 - 1, (b4 - 1) % 2)
        do_s(j - 1, b4 - 1, (b4 - 1) % 2)
        start_i(j + 2, (b4 + 2) % 4)

    def quad(qq, carry):
        for b4 in range(4):
            j = 4 * qq + b4
            wait_i(j, b4)
            start_g(j, b4, b4 % 2)
            wait_g(j - 1, (b4 - 1) % 4, (b4 - 1) % 2)
            do_s(j - 1, (b4 - 1) % 4, (b4 - 1) % 2)
            start_i(j + 2, (b4 + 2) % 4)
        return carry

    lax.fori_loop(1, rows_w // 4, quad, 0)
    jlast = jnp.maximum(rows_w - 1, 3)
    wait_g(jlast, 3, 1)
    do_s(jlast, 3, 1)
    wait_i(jlast + 1, 0)
    wait_i(jlast + 2, 1)
    plsc.subcore_barrier()
    for k in range(ROWS_T // 128):
        pltpu.sync_copy(
            agg_sh.at[pl.ds(s * ROWS_T + k * 128, 128)],
            out_hbm.at[pl.ds((c * NS + s) * ROWS_T + k * 128, 128)])


@jax.jit
def _agg(y, sd, zeros128):
    f = pl.kernel(
        _agg_body,
        out_type=jax.ShapeDtypeStruct((NC * N_SH, D), jnp.float32),
        mesh=plsc.VectorSubcoreMesh(**_MESH),
        scratch_types=[pltpu.VMEM((2, 128), jnp.int32)] * 4
        + [pltpu.VMEM((128, D), jnp.float32)] * 2 + [
            pltpu.VMEM_SHARED((N_SH, D), jnp.float32),
        ] + [pltpu.SemaphoreType.DMA] * 6,
    )
    return f(y, sd, zeros128)



_R = 1000


def _mm1_body(x_ref, w_ref, d0_ref, d1_ref, o_ref):
    dis = lax.rsqrt(d0_ref[...] + d1_ref[...] + 1.0)
    xw = lax.dot_general(x_ref[...], w_ref[...], (((1,), (1,)), ((), ())),
                         preferred_element_type=jnp.float32)
    o_ref[...] = dis * xw


@jax.jit
def _mm1(x, w, d0, d1):
    grid = (N // _R,)
    return pl.pallas_call(
        _mm1_body,
        grid=grid,
        in_specs=[
            pl.BlockSpec((_R, D), lambda i: (i, 0)),
            pl.BlockSpec((D, D), lambda i: (0, 0)),
            pl.BlockSpec((_R, 1), lambda i: (i, 0)),
            pl.BlockSpec((_R, 1), lambda i: (i, 0)),
        ],
        out_specs=pl.BlockSpec((_R, D), lambda i: (i, 0)),
        out_shape=jax.ShapeDtypeStruct((N, D), jnp.float32),
    )(x, w, d0, d1)


def _mid_body(p0_ref, p1_ref, y_ref, d0_ref, d1_ref, b_ref, a_ref, w_ref,
              o_ref):
    dis = lax.rsqrt(d0_ref[...] + d1_ref[...] + 1.0)
    h = dis * (p0_ref[...] + p1_ref[...] + y_ref[...]) + b_ref[...]
    h = jnp.where(h >= 0.0, h, a_ref[...] * h)
    o_ref[...] = dis * lax.dot_general(h, w_ref[...],
                                       (((1,), (1,)), ((), ())),
                                       preferred_element_type=jnp.float32)


@jax.jit
def _mid(p0, p1, y, d0, d1, b, a, w):
    grid = (N // _R,)
    return pl.pallas_call(
        _mid_body,
        grid=grid,
        in_specs=[
            pl.BlockSpec((_R, D), lambda i: (i, 0)),
            pl.BlockSpec((_R, D), lambda i: (i, 0)),
            pl.BlockSpec((_R, D), lambda i: (i, 0)),
            pl.BlockSpec((_R, 1), lambda i: (i, 0)),
            pl.BlockSpec((_R, 1), lambda i: (i, 0)),
            pl.BlockSpec((1, D), lambda i: (0, 0)),
            pl.BlockSpec((1, D), lambda i: (0, 0)),
            pl.BlockSpec((D, D), lambda i: (0, 0)),
        ],
        out_specs=pl.BlockSpec((_R, D), lambda i: (i, 0)),
        out_shape=jax.ShapeDtypeStruct((N, D), jnp.float32),
    )(p0, p1, y, d0, d1, b, a, w)


def _fin_body(p0_ref, p1_ref, y_ref, d0_ref, d1_ref, b_ref, a_ref, o_ref):
    dis = lax.rsqrt(d0_ref[...] + d1_ref[...] + 1.0)
    h = dis * (p0_ref[...] + p1_ref[...] + y_ref[...]) + b_ref[...]
    o_ref[...] = jnp.where(h >= 0.0, h, a_ref[...] * h)


@jax.jit
def _fin(p0, p1, y, d0, d1, b, a):
    grid = (N // _R,)
    return pl.pallas_call(
        _fin_body,
        grid=grid,
        in_specs=[
            pl.BlockSpec((_R, D), lambda i: (i, 0)),
            pl.BlockSpec((_R, D), lambda i: (i, 0)),
            pl.BlockSpec((_R, D), lambda i: (i, 0)),
            pl.BlockSpec((_R, 1), lambda i: (i, 0)),
            pl.BlockSpec((_R, 1), lambda i: (i, 0)),
            pl.BlockSpec((1, D), lambda i: (0, 0)),
            pl.BlockSpec((1, D), lambda i: (0, 0)),
        ],
        out_specs=pl.BlockSpec((_R, D), lambda i: (i, 0)),
        out_shape=jax.ShapeDtypeStruct((N, D), jnp.float32),
    )(p0, p1, y, d0, d1, b, a)



def kernel(x, edge_index, W1, b1, a1, W2, b2, a2):
    ei = edge_index.astype(jnp.int32)
    src, dst = ei[0], ei[1]
    pad = SAFE_ROWS * 128 - E
    src_p = jnp.concatenate(
        [src, jnp.zeros((pad,), jnp.int32)]).reshape(SAFE_ROWS, 128)
    padvals = N + (jnp.arange(pad, dtype=jnp.int32) % (N_SH - N))
    dst_p = jnp.concatenate([dst, padvals]).reshape(SAFE_ROWS, 128)
    sd = jnp.stack([src_p, dst_p], axis=1)

    ones8 = jnp.ones((128, DEGW), jnp.float32)
    zeros_deg = jnp.zeros((ROWS_T, DEGW), jnp.float32)
    zeros128 = zeros_deg

    degp = _deg(dst_p, ones8, zeros_deg)
    d0 = degp[0:N, 0:1]
    d1 = degp[N_SH:N_SH + N, 0:1]

    y1 = _mm1(x, W1, d0, d1)
    p = _agg(y1, sd, zeros128)
    y2 = _mid(p[0:N], p[N_SH:N_SH + N], y1, d0, d1,
              b1.reshape(1, D), a1.reshape(1, D), W2)
    q = _agg(y2, sd, zeros128)
    out = _fin(q[0:N], q[N_SH:N_SH + N], y2, d0, d1,
               b2.reshape(1, D), a2.reshape(1, D))
    return out

# --- scband reference (transcript-rebuilt; emitter-appended) ---
"""Pipeline reference for scband-dgi-encoder-37847251813252 (READ-ONLY COPY).

The authoritative reference and input builder live on the scoring server;
editing this copy changes nothing except your own understanding.
"""

import jax, jax.numpy as jnp
import numpy as np

N_NODES = 10000
D_IN = 128
D_HID = 128
N_EDGES = 320000


def gcn_conv(x, edge_index, W, b):
    # Faithful to PyG GCNConv (cached=False, add_self_loops=True, normalize=True):
    # 1) x' = x @ W^T
    # 2) add self loops, compute deg on dst (in-degree incl. self loop)
    # 3) norm = deg^{-1/2}[src] * deg^{-1/2}[dst]
    # 4) out[dst] += norm * x'[src]; out += bias
    n = x.shape[0]
    loop = jnp.arange(n, dtype=edge_index.dtype)
    src = jnp.concatenate([edge_index[0], loop])
    dst = jnp.concatenate([edge_index[1], loop])
    xw = x @ W.T
    ones = jnp.ones(src.shape[0], dtype=x.dtype)
    deg = jnp.zeros(n, dtype=x.dtype).at[dst].add(ones)
    deg_inv_sqrt = jnp.where(deg > 0, deg ** -0.5, 0.0)
    norm = deg_inv_sqrt[src] * deg_inv_sqrt[dst]
    msg = xw[src] * norm[:, None]
    out = jnp.zeros((n, xw.shape[1]), dtype=x.dtype).at[dst].add(msg)
    return out + b


def prelu(x, a):
    return jnp.where(x >= 0, x, a[None, :] * x)


def setup_inputs(seed: int = 0) -> dict:
    key = jax.random.key(seed)
    k_x, k_e, k_w1, k_b1, k_w2, k_b2 = jax.random.split(key, 6)
    x = jax.random.normal(k_x, (N_NODES, D_IN), dtype=jnp.float32)
    edge_index = jax.random.randint(k_e, (2, N_EDGES), 0, N_NODES, dtype=jnp.int64)
    W1 = jax.random.normal(k_w1, (D_HID, D_IN), dtype=jnp.float32) * (1.0 / np.sqrt(D_IN))
    b1 = jnp.zeros((D_HID,), dtype=jnp.float32)
    a1 = jnp.full((D_HID,), 0.25, dtype=jnp.float32)
    W2 = jax.random.normal(k_w2, (D_HID, D_HID), dtype=jnp.float32) * (1.0 / np.sqrt(D_HID))
    b2 = jnp.zeros((D_HID,), dtype=jnp.float32)
    a2 = jnp.full((D_HID,), 0.25, dtype=jnp.float32)
    return {"x": x, "edge_index": edge_index, "W1": W1, "b1": b1, "a1": a1, "W2": W2, "b2": b2, "a2": a2}


def reference(x, edge_index, W1, b1, a1, W2, b2, a2):
    h = gcn_conv(x, edge_index, W1, b1)
    h = prelu(h, a1)
    h = gcn_conv(h, edge_index, W2, b2)
    h = prelu(h, a2)
    return h

if __name__ == "__main__":
    import jax
    _d = setup_inputs()
    print(jax.jit(kernel)(*tuple(_d.values())))

</pallas_src>

<mosaic_0001>
#map = affine_map<(d0, d1) -> (0, 0)>
module attributes {stable_mosaic.version = 14 : i64} {
  func.func @_deg_body(%arg0: i32, %arg1: i32, %arg2: memref<2724x128xi32, #tpu.memory_space<hbm>>, %arg3: memref<128x128xf32, #tpu.memory_space<hbm>>, %arg4: memref<640x128xf32, #tpu.memory_space<hbm>>, %arg5: memref<20480x128xf32, #tpu.memory_space<hbm>>, %arg6: memref<80x128xi32, #tpu.memory_space<vmem>>, %arg7: memref<128x128xf32, #tpu.memory_space<vmem>>, %arg8: memref<10240x128xf32, #tpu.memory_space<vmem_shared>>) attributes {dimension_semantics = [#tpu.dimension_semantics<core_parallel>, #tpu.dimension_semantics<subcore_parallel>], iteration_bounds = array<i64: 2, 16>, scalar_prefetch = 0 : i64, scratch_operands = 3 : i64, tpu.core_type = #tpu.core_type<sc_vector_subcore>, window_params = [{transform_indices = #map}, {transform_indices = #map}, {transform_indices = #map}, {transform_indices = #map}]} {
    %mul3A = arith.constant 2 : i32
    %mul3A_0 = arith.muli %arg1, %mul3A : i32
    %add3A = arith.addi %mul3A_0, %arg0 : i32
    "tpu.region"() ({
      %run_scoped3A = tpu.sem_alloc : memref<!tpu.dma_semaphore, #tpu.memory_space<semaphore_mem>>
      tpu.enqueue_dma source(%arg3 : memref<128x128xf32, #tpu.memory_space<hbm>>) target(%arg7 : memref<128x128xf32, #tpu.memory_space<vmem>>) target_semaphore(%run_scoped3A : memref<!tpu.dma_semaphore, #tpu.memory_space<semaphore_mem>>)
      tpu.wait_dma2 semaphore(%run_scoped3A : memref<!tpu.dma_semaphore, #tpu.memory_space<semaphore_mem>>) src(%arg3 : memref<128x128xf32, #tpu.memory_space<hbm>>) dst(%arg7 : memref<128x128xf32, #tpu.memory_space<vmem>>)
      tpu.yield
    }) : () -> ()
    %mul3A_1 = arith.constant 640 : i32
    %mul3A_2 = arith.muli %arg1, %mul3A_1 : i32
    "tpu.region"() ({
      %run_scoped3A = tpu.sem_alloc : memref<!tpu.dma_semaphore, #tpu.memory_space<semaphore_mem>>
      %dma_start3A = arith.constant 0 : i32
      %dma_start3A_18 = tpu.memref_slice %arg8[%mul3A_2, %dma_start3A] : memref<10240x128xf32, #tpu.memory_space<vmem_shared>> -> memref<640x128xf32, #tpu.memory_space<vmem_shared>>
      tpu.enqueue_dma source(%arg4 : memref<640x128xf32, #tpu.memory_space<hbm>>) target(%dma_start3A_18 : memref<640x128xf32, #tpu.memory_space<vmem_shared>>) target_semaphore(%run_scoped3A : memref<!tpu.dma_semaphore, #tpu.memory_space<semaphore_mem>>)
      %dma_wait3A = arith.constant 0 : i32
      %dma_wait3A_19 = tpu.memref_slice %arg8[%mul3A_2, %dma_wait3A] : memref<10240x128xf32, #tpu.memory_space<vmem_shared>> -> memref<640x128xf32, #tpu.memory_space<vmem_shared>>
      tpu.wait_dma2 semaphore(%run_scoped3A : memref<!tpu.dma_semaphore, #tpu.memory_space<semaphore_mem>>) src(%arg4 : memref<640x128xf32, #tpu.memory_space<hbm>>) dst(%dma_wait3A_19 : memref<640x128xf32, #tpu.memory_space<vmem_shared>>)
      tpu.yield
    }) : () -> ()
    %mul3A_3 = arith.constant 80 : i32
    %mul3A_4 = arith.muli %add3A, %mul3A_3 : i32
    "tpu.region"() ({
      %run_scoped3A = tpu.sem_alloc : memref<!tpu.dma_semaphore, #tpu.memory_space<semaphore_mem>>
      %dma_start3A = arith.constant 0 : i32
      %dma_start3A_18 = tpu.memref_slice %arg2[%mul3A_4, %dma_start3A] : memref<2724x128xi32, #tpu.memory_space<hbm>> -> memref<80x128xi32, #tpu.memory_space<hbm>>
      %dma_start3A_19 = arith.constant 0 : i32
      %dma_start3A_20 = tpu.memref_slice %arg2[%mul3A_4, %dma_start3A_19] : memref<2724x128xi32, #tpu.memory_space<hbm>> -> memref<80x128xi32, #tpu.memory_space<hbm>>
      tpu.enqueue_dma source(%dma_start3A_20 : memref<80x128xi32, #tpu.memory_space<hbm>>) target(%arg6 : memref<80x128xi32, #tpu.memory_space<vmem>>) target_semaphore(%run_scoped3A : memref<!tpu.dma_semaphore, #tpu.memory_space<semaphore_mem>>)
      %dma_wait3A = arith.constant 0 : i32
      %dma_wait3A_21 = tpu.memref_slice %arg2[%mul3A_4, %dma_wait3A] : memref<2724x128xi32, #tpu.memory_space<hbm>> -> memref<80x128xi32, #tpu.memory_space<hbm>>
      %dma_wait3A_22 = arith.constant 0 : i32
      %dma_wait3A_23 = tpu.memref_slice %arg2[%mul3A_4, %dma_wait3A_22] : memref<2724x128xi32, #tpu.memory_space<hbm>> -> memref<80x128xi32, #tpu.memory_space<hbm>>
      tpu.wait_dma2 semaphore(%run_scoped3A : memref<!tpu.dma_semaphore, #tpu.memory_space<semaphore_mem>>) src(%dma_wait3A_23 : memref<80x128xi32, #tpu.memory_space<hbm>>) dst(%arg6 : memref<80x128xi32, #tpu.memory_space<vmem>>)
      tpu.yield
    }) : () -> ()
    %barrier3A = arith.constant 0 : index
    tpu.barrier barrier_id(%barrier3A)
    %scan3A = arith.constant 0 : i32
    %scan3A_5 = arith.constant 0 : i32
    %scan3A_6 = arith.constant 80 : i32
    %scan3A_7 = arith.addi %scan3A_5, %scan3A_6 : i32
    %scan3A_8 = arith.constant 1 : i32
    scf.for %scan3A_18 = %scan3A_5 to %scan3A_7 step %scan3A_8  : i32 {
      "tpu.region"() ({
        %run_scoped3A = tpu.sem_alloc : memref<!tpu.dma_semaphore, #tpu.memory_space<semaphore_mem>>
        %dma_start3A = arith.constant 0 : i32
        %dma_start3A_19 = tpu.memref_slice %arg6[%scan3A_18, %dma_start3A] : memref<80x128xi32, #tpu.memory_space<vmem>> -> memref<1x128xi32, #tpu.memory_space<vmem>>
        %dma_start3A_20 = tpu.memref_squeeze %dma_start3A_19 : memref<1x128xi32, #tpu.memory_space<vmem>> -> memref<128xi32, #tpu.memory_space<vmem>>
        %dma_start3A_21 = arith.constant 0 : i32
        %dma_start3A_22 = arith.constant 0 : i32
        %dma_start3A_23 = tpu.memref_slice %arg8[%dma_start3A_21, %dma_start3A_22] : memref<10240x128xf32, #tpu.memory_space<vmem_shared>> -> memref<10240x128xf32, #tpu.memory_space<vmem_shared>>
        tpu.enqueue_indirect_dma source(%arg7 : memref<128x128xf32, #tpu.memory_space<vmem>>) target(%dma_start3A_23 : memref<10240x128xf32, #tpu.memory_space<vmem_shared>>) offsets(%dma_start3A_20 : memref<128xi32, #tpu.memory_space<vmem>>) semaphore(%run_scoped3A : memref<!tpu.dma_semaphore, #tpu.memory_space<semaphore_mem>>) {add = true}
        %dma_wait3A = arith.constant 0 : i32
        %dma_wait3A_24 = tpu.memref_slice %arg6[%scan3A_18, %dma_wait3A] : memref<80x128xi32, #tpu.memory_space<vmem>> -> memref<1x128xi32, #tpu.memory_space<vmem>>
        %dma_wait3A_25 = tpu.memref_squeeze %dma_wait3A_24 : memref<1x128xi32, #tpu.memory_space<vmem>> -> memref<128xi32, #tpu.memory_space<vmem>>
        %dma_wait3A_26 = arith.constant 0 : i32
        %dma_wait3A_27 = arith.constant 0 : i32
        %dma_wait3A_28 = tpu.memref_slice %arg8[%dma_wait3A_26, %dma_wait3A_27] : memref<10240x128xf32, #tpu.memory_space<vmem_shared>> -> memref<10240x128xf32, #tpu.memory_space<vmem_shared>>
        tpu.wait_indirect_dma semaphore(%run_scoped3A : memref<!tpu.dma_semaphore, #tpu.memory_space<semaphore_mem>>) src(%arg7 : memref<128x128xf32, #tpu.memory_space<vmem>>) dst(%dma_wait3A_28 : memref<10240x128xf32, #tpu.memory_space<vmem_shared>>)
        tpu.yield
      }) : () -> ()
    }
    %scan3A_9 = arith.constant 80 : i32
    %barrier3A_10 = arith.constant 0 : index
    tpu.barrier barrier_id(%barrier3A_10)
    %mul3A_11 = arith.constant 640 : i32
    %mul3A_12 = arith.muli %arg1, %mul3A_11 : i32
    %mul3A_13 = arith.constant 16 : i32
    %mul3A_14 = arith.muli %arg0, %mul3A_13 : i32
    %add3A_15 = arith.addi %mul3A_14, %arg1 : i32
    %mul3A_16 = arith.constant 640 : i32
    %mul3A_17 = arith.muli %add3A_15, %mul3A_16 : i32
    "tpu.region"() ({
      %run_scoped3A = tpu.sem_alloc : memref<!tpu.dma_semaphore, #tpu.memory_space<semaphore_mem>>
      %dma_start3A = arith.constant 0 : i32
      %dma_start3A_18 = tpu.memref_slice %arg5[%mul3A_17, %dma_start3A] : memref<20480x128xf32, #tpu.memory_space<hbm>> -> memref<640x128xf32, #tpu.memory_space<hbm>>
      %dma_start3A_19 = arith.constant 0 : i32
      %dma_start3A_20 = tpu.memref_slice %arg8[%mul3A_12, %dma_start3A_19] : memref<10240x128xf32, #tpu.memory_space<vmem_shared>> -> memref<640x128xf32, #tpu.memory_space<vmem_shared>>
      tpu.enqueue_dma source(%dma_start3A_20 : memref<640x128xf32, #tpu.memory_space<vmem_shared>>) target(%dma_start3A_18 : memref<640x128xf32, #tpu.memory_space<hbm>>) target_semaphore(%run_scoped3A : memref<!tpu.dma_semaphore, #tpu.memory_space<semaphore_mem>>)
      %dma_wait3A = arith.constant 0 : i32
      %dma_wait3A_21 = tpu.memref_slice %arg5[%mul3A_17, %dma_wait3A] : memref<20480x128xf32, #tpu.memory_space<hbm>> -> memref<640x128xf32, #tpu.memory_space<hbm>>
      %dma_wait3A_22 = arith.constant 0 : i32
      %dma_wait3A_23 = tpu.memref_slice %arg8[%mul3A_12, %dma_wait3A_22] : memref<10240x128xf32, #tpu.memory_space<vmem_shared>> -> memref<640x128xf32, #tpu.memory_space<vmem_shared>>
      tpu.wait_dma2 semaphore(%run_scoped3A : memref<!tpu.dma_semaphore, #tpu.memory_space<semaphore_mem>>) src(%dma_wait3A_23 : memref<640x128xf32, #tpu.memory_space<vmem_shared>>) dst(%dma_wait3A_21 : memref<640x128xf32, #tpu.memory_space<hbm>>)
      tpu.yield
    }) : () -> ()
    return
  }
}

</mosaic_0001>

<sc_bundles>
// kernel: _deg.3.cloned.1.call-start
scs
__scs_entry_jumppad:
0x0: {  	(pc) =	sbr.rel $0x88, $3  }
0x1: {  	(tag) =	ssettag $0x0;
	lr =	simm.s32 $0x1  }
0x2: {  	[smem:$0x3F9E] =	sst lr;
	_ =	strace $0xD0000000  }
0x3: {  	_ = 	snop  }
0x4: {  	_ = 	snop  }
0x5: {  	_ = 	snop  }
0x6: {  	_ = 	snop  }
0x7: {  	_ = 	snop  }
__scs_overlays_trampoline_lowered:
0x8: {  	[smem:$0x3FAD] =	sst s0  }
0x9: {  	[smem:$0x3FAE] =	sst s1  }
0xa: {  	[smem:$0x3FAF] =	sst s2  }
0xb: {  	[smem:$0x3FB0] =	sst s3  }
0xc: {  	[smem:$0x3FB1] =	sst s4  }
0xd: {  	[smem:$0x3FB2] =	sst s5  }
0xe: {  	[smem:$0x3FB3] =	sst s6  }
0xf: {  	[smem:$0x3FB4] =	sst s7  }
0x10: {  	[smem:$0x3FB5] =	sst s8  }
0x11: {  	[smem:$0x3FB6] =	sst s9;
	s0 =	simm.s32 @!p0 $0x0  }
0x12: {  	s1 =	sld [smem:$0x3F9C];
	s0 =	simm.s32 @p0 $0x1  }
0x13: {  	[smem:$0x3FB7] =	sst s0;
	s0 =	simm.s32 @!p1 $0x0  }
0x14: {  	s2 =	sld [smem:$0x3F9B];
	s0 =	simm.s32 @p1 $0x1  }
0x15: {  	[smem:$0x3FB8] =	sst s0;
	s0 =	simm.s32 @!p2 $0x0  }
0x16: {  	s3 =	sld [smem:$0x3FDB];
	s0 =	simm.s32 @p2 $0x1  }
0x17: {  	s4 =	simm.s32 $0x1BF5;
	[smem:$0x3FBA] =	sst s0  }
0x18: {  	s0 =	sld [smem:$0x3F9D];
	_ =	swait.ge [sflag:s4], $0x0  }
0x19: {  	s7 =	sld [smem:$0x3F9E]  }
0x1a: {  	s8 =	sadd.s32 $0xFFFFE003, lr  }
0x1b: {  	s9 =	sadd.s32 $0xFFFFFEF7, lr;
	s5 =	simm.s32 $0xFFFFFFFF;
	p2 =	slt.u32 s8, $0xFFFFF086  }
0x1c: {  	p1 =	slt.u32 s9, $0xF7A;
	s5 =	simm.s32 @!p2 $0x0  }
0x1d: {  	s5 =	simm.s32 @p1 $0x1;
	p0 =	seq.s32 s7, s2  }
0x1e: {  	s7 =	smul.u32 @!p0 $0xF7A, s2;
	p2 =	seq.s32 @!p0 s5, $0x0  }
0x1f: {  	s9 =	smul.u32 $0xF7A, s1;
	s8 =	simm.s32 @!p0 $0x1BF5;
	p2 =	por !p2, p0  }
0x20: {  	[sflag:s8] =	ssyncset.s32 @!p0 $0xFFFFF086;
	s6 =	sadd.s32 @!p0 s3, s7;
	s7 =	simm.s32 @!p0 $0x108  }
0x21: {  	s3 =	sadd.s32 s3, s9;
	s6 =	sadd.s32 @!p0 $0x88, s6;
	s7 =	simm.s32 @p2 $0x1082  }
0x22: {  	[simem:s7], [sflag:s8] =	dma.local @!p0 [hbm:s6], $0xF7A  }
0x23: {  	s9 =	sor.u32 $0xD0000000, s2;
	s6 =	simm.s32 $0x108;
	_ =	swait.ge @!p0 [sflag:s8], $0x0  }
0x24: {  	s3 =	sadd.s32 $0x88, s3;
	s6 =	simm.s32 @!p1 $0x1082;
	[sflag:s4] =	ssyncset.s32 $0xFFFFF086  }
0x25: {  	[simem:s6], [sflag:s4] =	dma.local [hbm:s3], $0xF7A  }
0x26: {  	[smem:$0x3F9E] =	sst s1;
	(tag) =	ssettag s2;
	_ =	strace s9  }
0x27: {  	s1 =	sld [smem:$0x3FAE]  }
0x28: {  	s2 =	sld [smem:$0x3FAF]  }
0x29: {  	s4 =	sld [smem:$0x3FB1]  }
0x2a: {  	p0 =	seq.s32 s5, $0x0;
	s5 =	sld [smem:$0x3FB2]  }
0x2b: {  	s6 =	sld [smem:$0x3FB3]  }
0x2c: {  	s7 =	sld [smem:$0x3FB4]  }
0x2d: {  	s3 =	simm.s32 $0x108;
	s8 =	sld [smem:$0x3FB5]  }
0x2e: {  	s3 =	simm.s32 @!p0 $0x1082;
	s9 =	sld [smem:$0x3FB6]  }
0x2f: {  	lr =	sadd.s32 s0, s3;
	s0 =	sld [smem:$0x3FAD]  }
0x30: {  	s3 =	sld [smem:$0x3FB0]  }
0x31: {  	[smem:$0x3FB9] =	sst s10  }
0x32: {  	s10 =	sld [smem:$0x3FB7];
	_ =	sdelay $0x3  }
0x33: {  	p0 =	seq.s32 s10, $0x1;
	s10 =	sld [smem:$0x3FB9];
	_ =	sdelay $0x3  }
0x34: {  	[smem:$0x3FB9] =	sst s10  }
0x35: {  	s10 =	sld [smem:$0x3FB8];
	_ =	sdelay $0x3  }
0x36: {  	p1 =	seq.s32 s10, $0x1;
	s10 =	sld [smem:$0x3FB9];
	_ =	sdelay $0x3  }
0x37: {  	[smem:$0x3FB9] =	sst s10  }
0x38: {  	s10 =	sld [smem:$0x3FBA]  }
0x39: {  	_ = 	snop;
	(pc) =	sbr.ind lr, $3  }
0x3a: {  	_ = 	snop  }
0x3b: {  	_ = 	snop  }
0x3c: {  	p2 =	seq.s32 s10, $0x1;
	s10 =	sld [smem:$0x3FB9]  }
0x3d: {  	_ =	shalt  }
0x3e: {  	_ =	shalt  }
0x3f: {  	_ =	shalt  }
0x40: {  	_ =	shalt  }
0x41: {  	_ =	shalt  }
0x42: {  	_ =	shalt  }
0x43: {  	_ =	shalt  }
0x44: {  	_ =	shalt  }
0x45: {  	_ =	shalt  }
0x46: {  	_ =	shalt  }
0x47: {  	_ =	shalt  }
0x48: {  	_ =	shalt  }
0x49: {  	_ =	shalt  }
0x4a: {  	_ =	shalt  }
0x4b: {  	_ =	shalt  }
0x4c: {  	_ =	shalt  }
0x4d: {  	_ =	shalt  }
0x4e: {  	_ =	shalt  }
0x4f: {  	_ =	shalt  }
0x50: {  	_ =	shalt  }
0x51: {  	_ =	shalt  }
0x52: {  	_ =	shalt  }
0x53: {  	_ =	shalt  }
0x54: {  	_ =	shalt  }
0x55: {  	_ =	shalt  }
0x56: {  	_ =	shalt  }
0x57: {  	_ =	shalt  }
0x58: {  	_ =	shalt  }
0x59: {  	_ =	shalt  }
0x5a: {  	_ =	shalt  }
0x5b: {  	_ =	shalt  }
0x5c: {  	_ =	shalt  }
0x5d: {  	_ =	shalt  }
0x5e: {  	_ =	shalt  }
0x5f: {  	_ =	shalt  }
0x60: {  	_ =	shalt  }
0x61: {  	_ =	shalt  }
0x62: {  	_ =	shalt  }
0x63: {  	_ =	shalt  }
0x64: {  	_ =	shalt  }
0x65: {  	_ =	shalt  }
0x66: {  	_ =	shalt  }
0x67: {  	_ =	shalt  }
0x68: {  	_ =	shalt  }
0x69: {  	_ =	shalt  }
0x6a: {  	_ =	shalt  }
0x6b: {  	_ =	shalt  }
0x6c: {  	_ =	shalt  }
0x6d: {  	_ =	shalt  }
0x6e: {  	_ =	shalt  }
0x6f: {  	_ =	shalt  }
0x70: {  	_ =	shalt  }
0x71: {  	_ =	shalt  }
0x72: {  	_ =	shalt  }
0x73: {  	_ =	shalt  }
0x74: {  	_ =	shalt  }
0x75: {  	_ =	shalt  }
0x76: {  	_ =	shalt  }
0x77: {  	_ =	shalt  }
0x78: {  	_ =	shalt  }
0x79: {  	_ =	shalt  }
0x7a: {  	_ =	shalt  }
0x7b: {  	_ =	shalt  }
0x7c: {  	_ =	shalt  }
0x7d: {  	_ =	shalt  }
0x7e: {  	_ =	shalt  }
0x7f: {  	_ =	shalt  }
0x80: {  	_ =	shalt  }
0x81: {  	_ =	shalt  }
0x82: {  	_ =	shalt  }
0x83: {  	_ =	shalt  }
0x84: {  	_ =	shalt  }
0x85: {  	_ =	shalt  }
0x86: {  	_ =	shalt  }
0x87: {  	_ =	shalt  }
.Lfunc_end0:
.L_simem_size_0:
called_computation_lowered:
.L_overlay_start_0:
0x88: {  	s2 =	sld [smem:$0x3FD9]  }
0x89: {  	s3 =	sld [smem:$0x3FFE];
	_ =	sdelay $0x1  }
0x8a: {  	s1 =	srdreg.scid  }
0x8b: {  	s0 =	sand.u32 $0x1, s1  }
0x8c: {  	s18 =	sshll.u32 s0, $0xA;
	s2 =	sadd.s32 s3, s2  }
0x8d: {  	s2 =	sadd.s32 s2, s18  }
0x8e: {  	[smem:$0x3FC5] =	sst s2  }
0x8f: {  	_ = 	snop  }
0x90: {  	s2 =	sld [smem:$0x3FC9]  }
0x91: {  	s19 =	sld [smem:$0x3FC8]  }
0x92: {  	s4 =	sld [smem:$0x3FC7]  }
0x93: {  	s5 =	sld [smem:$0x3FD0];
	(tm) =	ssettm $0x1  }
0x94: {  	s6 =	sld [smem:$0x3FFB];
	_ =	sdelay $0x3  }
0x95: {  	_ =	strace s6  }
0x96: {  	s6 =	sld [smem:$0x3FFC];
	_ =	sdelay $0x3  }
0x97: {  	_ =	strace s6  }
0x98: {  	s6 =	sld [smem:$0x3FFD];
	_ =	sdelay $0x3  }
0x99: {  	_ =	strace s6  }
0x9a: {  	_ =	strace $0x8FFFFFFF  }
0x9b: {  	s20 =	sld [smem:$0x3FDB];
	_ =	sdelay $0x1  }
0x9c: {  	s7 =	simm.s32 $_scs_section_size  }
0x9d: {  	s8 =	simm.s32 $_size__tile_overlayer_lowered;
	s9 =	simm.s32 $_tile_overlayer_lowered  }
0x9e: {  	s23 =	simm.s32 $0x1BFF;
	s22 =	sshll.u32 s9, $0x1;
	s6 =	sadd.s32 s7, s20  }
0x9f: {  	s10 =	simm.s32 $0x0;
	s21 =	sshll.u32 s8, $0x1;
	s8 =	sadd.s32 s22, s6  }
0xa0: {  	[timem:s10], [sflag:s23] =	dma.local [hbm:s8], s21  }
0xa1: {  	_ =	swait.ge [sflag:s23], s21  }
0xa2: {  	s7 =	ssub.s32 $0x0, s21;
	[sflag:s23] =	ssyncset.done $0x0  }
0xa3: {  	[sflag:s23] =	ssyncadd.s32 s7;
	_ =	sdelay $0x1  }
0xa4: {  	s24 =	simm.s32 $0x1B8B  }
0xa5: {  	_ =	swait.ge [sflag:s24], $0x1  }
0xa6: {  	[sflag:s24] =	ssyncset.done $0x0  }
0xa7: {  	s25 =	simm.s32 $0x1B8E;
	[sflag:s24] =	ssyncadd.s32 $0xFFFFFFFF  }
0xa8: {  	s26 =	simm.s32 $execute0_lowered;
	[smem:$0x3FD2] =	sst s25  }
0xa9: {  	s7 =	sshll.u32 s26, $0x1;
	_ =	strace $0x80000046;
	[dreg:$0x1] =	wrdreg $0xFFFFFFFF  }
0xaa: {  	s28 =	simm.s32 $_size_execute0_lowered;
	s6 =	sadd.s32 s6, s7;
	[dreg:$0x0] =	wrdreg $0x0  }
0xab: {  	s7 =	sshll.u32 s28, $0x1;
	[dreg:$0x2] =	wrdreg s6  }
0xac: {  	[dreg:$0x3] =	wrdreg s7  }
0xad: {  	[dreg:$0x4] =	wrdreg $0xC0  }
0xae: {  	_ =	task [dreg:s10], $0x5FFFF  }
0xaf: {  	[dreg:$0x1] =	wrdreg $0xFFFFFFFF  }
0xb0: {  	[dreg:$0x0] =	wrdreg $0x60  }
0xb1: {  	[dreg:$0x2] =	wrdreg s2  }
0xb2: {  	[dreg:$0x3] =	wrdreg s19  }
0xb3: {  	[dreg:$0x4] =	wrdreg s4  }
0xb4: {  	[dreg:$0x5] =	wrdreg s5  }
0xb5: {  	[dreg:$0x6] =	wrdreg $0x68000  }
0xb6: {  	[dreg:$0x7] =	wrdreg $0x9  }
0xb7: {  	_ =	task.clear_ibuf [dreg:s10], $0x8FFFF;
	_ =	strace $0x90000046  }
0xb8: {  	s29 =	simm.s32 $0x9;
	_ =	strace $0x80000048  }
0xb9: {  	_ =	swait.ge [sflag:s29], $0x1  }
0xba: {  	[sflag:s29] =	ssyncadd.s32 $0xFFFFFFFF  }
0xbb: {  	_ =	strace $0x90000048  }
0xbc: {  	_ =	sfence  }
0xbd: {  	s30 =	sld [smem:$0x0];
	_ =	sdelay $0x2  }
0xbe: {  	s31 =	sshll.u32 s1, $0xD;
	s1 =	sshrl.u32 s1, $0x2  }
0xbf: {  	s3 =	sand.u32 $0x4000, s31;
	s1 =	sadd.s32 s1, s30  }
0xc0: {  	s0 =	sor.u32 s3, s0;
	s1 =	sshll.u32 s1, $0x11  }
0xc1: {  	s0 =	sor.u32 s1, s0  }
0xc2: {  	s0 =	sadd.s32 $0x8F2B, s0  }
0xc3: {  	[sflag:s0] =	ssyncadd.remote.s32 $0x1  }
0xc4: {  	_ =	sfence.sel $0xFFFF  }
0xc5: {  	[dreg:$0x0] =	wrdreg $0xFFFFFFFF;
	(pc) =	sbr.abs _section_cstart, $3  }
0xc6: {  	[dreg:$0x1] =	wrdreg $0xFFFFFFFF  }
0xc7: {  	_ =	task.clear_ibuf [dreg:s10], $0x2FFFF;
	_ =	strace $0x9FFFFFFF  }
0xc8: {  	(tm) =	ssettm $0x7FFFFFFF  }
0xc9: {  	_ =	shalt  }
tec
execute0_lowered:
.L_overlay_start_1:
0x0: {  	(tag) =	ssettag $0x1  }
0x1: {  	s6 =	rddreg [dreg:$0x0]  }
0x2: {  	s1 =	rddreg [dreg:$0x1]  }
0x3: {  	s2 =	rddreg [dreg:$0x2]  }
0x4: {  	s7 =	rddreg [dreg:$0x3]  }
0x5: {  	s3 =	rddreg [dreg:$0x4]  }
0x6: {  	s0 =	rddreg [dreg:$0x5];
	s5 =	simm.s32 $0x0  }
0x7: {  	s8 =	srdreg.scid;
	s4 =	stileid.u32;
	s13 =	simm.s32 $0x80  }
0x8: {  	s14 =	simm.s32 $0x0;
	[smem:$0x7FF] =	sst s5;
	s8 =	sand.u32 $0x1, s8  }
0x9: {  	s9 =	sshll.u32 s4, $0x1;
	s10 =	smul.u32 $0x50000, s4;
	s31 =	sshll.u32 s4, $0x6  }
0xa: {  	_ =	strace $0x80000047;
	s9 =	sor.u32 s8, s9;
	s11 =	sshll.u32 s8, $0x4  }
0xb: {  	s8 =	ssub.s32 $0x2, s8;
	s9 =	smul.u32 $0x500, s9;
	s11 =	sor.u32 s4, s11  }
0xc: {  	s12 =	sshrl.u32 s8, $0x1;
	s10 =	sshrl.u32 s10, $0x2;
	s11 =	smul.u32 $0x2800, s11  }
0xd: {  	s8 =	ssub.s32 s8, s12;
	s30 =	sadd.s32 s10, s3;
	s10 =	simm.s32 $0x1  }
0xe: {  	s6 =	sadd.s32 s6, s9;
	s8 =	smax.u32 s8, $0x1;
	s9 =	simm.s32 $0x2800  }
0xf: {  	s12 =	sshrl.u32 s30, $0x3;
	s7 =	sadd.s32 s7, s11;
	s11 =	sor.u32 $0x1C01, s31  }
.LBB2_1:
0x10: {  	[tilespmem:s9], [sflag:$0x1] =	stream.linear.gather [hbm4b:s1+s5], $0x4000, $0x38;
	[tilespmem:$0x1A800] =	vst v63  }
0x11: {  	_ =	swait.ge [sflag:s10], $0x4000  }
0x12: {  	[sflag:s10] =	ssyncset.done $0x0  }
0x13: {  	[sflag:s10] =	ssyncadd.s32 $0xFFFFC000  }
0x14: {  	[spmem:s12], [sflag:s11] =	dma.local [hbm:s2], $0x2800  }
0x15: {  	_ =	swait.ge [sflag:s10], $0x2800  }
0x16: {  	[sflag:s10] =	ssyncset.done $0x0  }
0x17: {  	[sflag:s10] =	ssyncadd.s32 $0xFFFFD800  }
0x18: {  	[tilespmem:s5], [sflag:$0x1] =	stream.linear.gather [hbm4b:s6+s5], $0x2800, $0x38;
	[tilespmem:$0x1A800] =	vst v63  }
0x19: {  	_ =	swait.ge [sflag:s10], $0x2800  }
0x1a: {  	[sflag:s10] =	ssyncset.done $0x0  }
0x1b: {  	[sflag:s10] =	ssyncadd.s32 $0xFFFFD800  }
0x1c: {  	s15 =	simm.s32 $0x0;
	[bflag:$0x0] =	sbarrier.arrive $0xFFFF  }
0x1d: {  	[spmem:s3] =	stream.indirect.scatter.add.f32 [tilespmem:s9], [sflag:$0x1], $0x80, s15, s13, $0xb8;
	[tilespmem:$0x1A800] =	vst v63  }
0x1e: {  	_ =	swait.ge [sflag:s10], $0x4000  }
0x1f: {  	s15 =	simm.s32 $0x200;
	[sflag:s10] =	ssyncset.done $0x0  }
.LBB2_2:
0x20: {  	s16 =	sshra.s32 s15, $0x2;
	[sflag:s10] =	ssyncadd.s32 $0xFFFFC000;
	p0 =	sne.s32 s15, $0x9E00  }
0x21: {  	[spmem:s3] =	stream.indirect.scatter.add.f32 [tilespmem:s9], [sflag:$0x1], $0x80, s16, s13, $0xb8;
	[tilespmem:$0x1A800] =	vst v63  }
.Ltmp0:
0x22: {  	_ = 	snop;
	(pc) =	sbr.rel @p0 .LBB2_2-.Ltmp0, $4  }
0x23: {  	_ = 	snop  }
0x24: {  	s15 =	sadd.s32 $0x200, s15  }
0x25: {  	_ =	swait.ge [sflag:s10], $0x4000  }
0x26: {  	[sflag:s10] =	ssyncset.done $0x0  }
0x27: {  	s14 =	sadd.s32 $0x1, s14  }
0x28: {  	[sflag:s10] =	ssyncadd.s32 $0xFFFFC000;
	p0 =	sne.s32 s14, s8  }
.Ltmp1:
0x29: {  	[bflag:$0x0] =	sbarrier.arrive $0xFFFF;
	(pc) =	sbr.rel @p0 .LBB2_1-.Ltmp1, $4  }
0x2a: {  	[hbm:s7], [sflag:s11] =	dma.local [spmem:s12], $0x2800  }
0x2b: {  	_ =	swait.ge [sflag:s10], $0x2800  }
0x2c: {  	[sflag:s10] =	ssyncset.done $0x0  }
0x2d: {  	[sflag:s10] =	ssyncadd.s32 $0xFFFFD800  }
0x2e: {  	_ =	sfence.sel $0x180000  }
0x2f: {  	[bflag:$0x0] =	sbarrier.arrive $0xFFFF  }
0x30: {  	p0 =	sne.s32 s4, $0x0;
	_ =	strace $0x90000047  }
0x31: {  	s0 =	sadd.s32 @!p0 $0x100000, s0;
	[bflag:$0x2] =	sbarrier.arrive $0xFFFF  }
0x32: {  	[sflag:s0] =	ssyncadd.tile.s32 @!p0 $0x1;
	_ =	shalt  }
.Lfunc_end2:
_tile_overlayer_lowered:
.L_overlay_start_2:
0x33: {  	(tag) =	ssettag $0x2  }
0x34: {  	s0 =	rddreg [dreg:$0x0];
	s2 =	stileid.u32  }
0x35: {  	s1 =	rddreg [dreg:$0x1];
	p0 =	sne.s32 s2, $0x0  }
0x36: {  	s3 =	rddreg [dreg:$0x2];
	[bflag:$0x3] =	sbarrier.arrive $0xFFFF;
	s2 =	simm.s32 @!p0 $0x1C01  }
0x37: {  	[timem:s3], [sflag:s2] =	dma.local @!p0 [hbm:s0], s1  }
0x38: {  	s0 =	simm.s32 @!p0 $0x1  }
0x39: {  	_ =	swait.ge @!p0 [sflag:s0], s1  }
0x3a: {  	s1 =	ssub.s32 @!p0 $0x0, s1;
	[sflag:s0] =	ssyncset.done @!p0 $0x0  }
0x3b: {  	[sflag:s0] =	ssyncadd.s32 @!p0 s1  }
0x3c: {  	[bflag:$0x3] =	sbarrier.arrive $0xFFFF  }
0x3d: {  	_ =	shalt  }

</sc_bundles>
